<compile_context>
chip_gen: v7x
topology: tpu7x:2x2x1
jax: 0.10.2.dev20260603
libtpu: 0.0.44.dev20260713+nightly
codegen_flags: <defaults>
</compile_context>

<pallas_src>
import functools

import jax
import jax.numpy as jnp
from jax import lax
from jax.experimental import pallas as pl
from jax.experimental.pallas import tpu as pltpu
from jax.experimental.pallas import tpu_sc as plsc

HIDDEN = 2048
EPS = 1e-12
L = 16
NSL = HIDDEN // L
C = 16


def _lane_allsum(v):
    lanes = lax.iota(jnp.int32, L)
    dnums = lax.GatherDimensionNumbers(
        offset_dims=(), collapsed_slice_dims=(0,), start_index_map=(0,)
    )
    for sh in (8, 4, 2, 1):
        perm = lanes ^ sh
        v = v + lax.gather(
            v, perm[:, None], dnums, (1,),
            mode=lax.GatherScatterMode.PROMISE_IN_BOUNDS,
        )
    return v


def _rsqrt_newton(v):
    xi = lax.bitcast_convert_type(v, jnp.int32)
    yi = jnp.int32(0x5F3759DF) - lax.shift_right_logical(xi, 1)
    y = lax.bitcast_convert_type(yi, jnp.float32)
    half_v = 0.5 * v
    for _ in range(3):
        y = y * (1.5 - half_v * y * y)
    return y


def _make_sc_call(n_tokens):
    info = plsc.get_sparse_core_info()
    nc, ns = info.num_cores, info.num_subcores
    nw = nc * ns
    tpw = n_tokens // nw
    nchunks = tpw // C

    mesh = plsc.VectorSubcoreMesh(core_axis_name="c", subcore_axis_name="s")

    @functools.partial(
        pl.kernel,
        out_type=jax.ShapeDtypeStruct((n_tokens, HIDDEN), jnp.float32),
        mesh=mesh,
        scratch_types=[
            pltpu.VMEM((tpw,), jnp.int32),
            pltpu.VMEM((C, HIDDEN), jnp.float32),
            pltpu.VMEM((HIDDEN,), jnp.float32),
            pltpu.VMEM((HIDDEN,), jnp.float32),
            pltpu.SemaphoreType.DMA,
        ],
    )
    def sc_call(ids_hbm, table_hbm, gamma_hbm, beta_hbm, out_hbm,
                idx_v, rows_v, gamma_v, beta_v, sem):
        wid = lax.axis_index("s") * nc + lax.axis_index("c")
        base = wid * tpw
        pltpu.sync_copy(ids_hbm.at[pl.ds(base, tpw)], idx_v)
        pltpu.sync_copy(gamma_hbm, gamma_v)
        pltpu.sync_copy(beta_hbm, beta_v)

        def chunk_body(g, _):
            pltpu.async_copy(
                table_hbm.at[idx_v.at[pl.ds(g * C, C)]], rows_v, sem
            ).wait()

            def tok_body(t, _):
                def acc_body(j, carry):
                    s, q = carry
                    x = rows_v[t, pl.ds(j * L, L)]
                    return s + x, q + x * x

                zeros = jnp.zeros((L,), jnp.float32)
                s, q = lax.fori_loop(0, NSL, acc_body, (zeros, zeros))
                mean_v = _lane_allsum(s) * (1.0 / HIDDEN)
                ex2_v = _lane_allsum(q) * (1.0 / HIDDEN)
                var_v = ex2_v - mean_v * mean_v
                scale_v = _rsqrt_newton(var_v + EPS)

                def norm_body(j, _):
                    sl = pl.ds(j * L, L)
                    x = rows_v[t, sl]
                    y = (x - mean_v) * scale_v
                    rows_v[t, sl] = y * gamma_v[sl] + beta_v[sl]
                    return 0

                lax.fori_loop(0, NSL, norm_body, 0)
                return 0

            lax.fori_loop(0, C, tok_body, 0)
            pltpu.sync_copy(rows_v, out_hbm.at[pl.ds(base + g * C, C)])
            return 0

        lax.fori_loop(0, nchunks, chunk_body, 0)

    return sc_call


def kernel(input_ids, word_embeddings, ln_gamma, ln_beta):
    b, s = input_ids.shape
    n = b * s
    ids = input_ids.reshape(n).astype(jnp.int32)
    out = _make_sc_call(n)(ids, word_embeddings, ln_gamma, ln_beta)
    return out.reshape(b, s, HIDDEN)

# --- scband reference (transcript-rebuilt; emitter-appended) ---
"""Pipeline reference for scband-bert-embeddings-nopos-86689619902955 (READ-ONLY COPY).

The authoritative reference and input builder live on the scoring server;
editing this copy changes nothing except your own understanding.
"""

import jax, jax.numpy as jnp
import numpy as np

VOCAB = 30522
HIDDEN = 2048
BATCH = 4
SEQ = 4096
EPS = 1e-12


def setup_inputs(seed: int = 0) -> dict:
    key = jax.random.key(seed)
    k1, k2 = jax.random.split(key, 2)
    input_ids = jax.random.randint(k1, (BATCH, SEQ), 0, VOCAB, dtype=jnp.int64 if jax.config.jax_enable_x64 else jnp.int32)
    word_embeddings = jax.random.normal(k2, (VOCAB, HIDDEN), dtype=jnp.float32) * 0.02
    ln_gamma = jnp.ones((HIDDEN,), dtype=jnp.float32)
    ln_beta = jnp.zeros((HIDDEN,), dtype=jnp.float32)
    return {
        "input_ids": input_ids,
        "word_embeddings": word_embeddings,
        "ln_gamma": ln_gamma,
        "ln_beta": ln_beta,
    }


def reference(input_ids, word_embeddings, ln_gamma, ln_beta):
    # word embedding lookup (gather)
    inputs_embeds = jnp.take(word_embeddings, input_ids, axis=0)  # [B, S, H]
    # LayerNorm over last dim, eps=1e-12 (BERT convention)
    mean = jnp.mean(inputs_embeds, axis=-1, keepdims=True)
    var = jnp.mean(jnp.square(inputs_embeds - mean), axis=-1, keepdims=True)
    normed = (inputs_embeds - mean) / jnp.sqrt(var + EPS)
    embeddings = normed * ln_gamma + ln_beta
    # dropout prob = 0.0 (eval / p=0) -> identity
    return embeddings

if __name__ == "__main__":
    import jax
    _d = setup_inputs()
    print(jax.jit(kernel)(*tuple(_d.values())))

</pallas_src>

<mosaic_0001>
#map = affine_map<(d0, d1) -> (0)>
#map1 = affine_map<(d0, d1) -> (0, 0)>
module attributes {stable_mosaic.version = 14 : i64} {
  func.func @sc_call(%arg0: i32, %arg1: i32, %arg2: memref<16384xi32, #tpu.memory_space<hbm>>, %arg3: memref<30522x2048xf32, #tpu.memory_space<hbm>>, %arg4: memref<2048xf32, #tpu.memory_space<hbm>>, %arg5: memref<2048xf32, #tpu.memory_space<hbm>>, %arg6: memref<16384x2048xf32, #tpu.memory_space<hbm>>, %arg7: memref<512xi32, #tpu.memory_space<vmem>>, %arg8: memref<16x2048xf32, #tpu.memory_space<vmem>>, %arg9: memref<2048xf32, #tpu.memory_space<vmem>>, %arg10: memref<2048xf32, #tpu.memory_space<vmem>>, %arg11: memref<!tpu.dma_semaphore, #tpu.memory_space<semaphore_mem>>) attributes {dimension_semantics = [#tpu.dimension_semantics<core_parallel>, #tpu.dimension_semantics<subcore_parallel>], iteration_bounds = array<i64: 2, 16>, scalar_prefetch = 0 : i64, scratch_operands = 5 : i64, tpu.core_type = #tpu.core_type<sc_vector_subcore>, window_params = [{transform_indices = #map}, {transform_indices = #map1}, {transform_indices = #map}, {transform_indices = #map}, {transform_indices = #map1}]} {
    %mul3A = arith.constant 2 : i32
    %mul3A_0 = arith.muli %arg1, %mul3A : i32
    %add3A = arith.addi %mul3A_0, %arg0 : i32
    %mul3A_1 = arith.constant 512 : i32
    %mul3A_2 = arith.muli %add3A, %mul3A_1 : i32
    "tpu.region"() ({
      %run_scoped3A = tpu.sem_alloc : memref<!tpu.dma_semaphore, #tpu.memory_space<semaphore_mem>>
      %dma_start3A = tpu.memref_slice %arg2[%mul3A_2] : memref<16384xi32, #tpu.memory_space<hbm>> -> memref<512xi32, #tpu.memory_space<hbm>>
      %dma_start3A_9 = tpu.memref_slice %arg2[%mul3A_2] : memref<16384xi32, #tpu.memory_space<hbm>> -> memref<512xi32, #tpu.memory_space<hbm>>
      tpu.enqueue_dma source(%dma_start3A_9 : memref<512xi32, #tpu.memory_space<hbm>>) target(%arg7 : memref<512xi32, #tpu.memory_space<vmem>>) target_semaphore(%run_scoped3A : memref<!tpu.dma_semaphore, #tpu.memory_space<semaphore_mem>>)
      %dma_wait3A = tpu.memref_slice %arg2[%mul3A_2] : memref<16384xi32, #tpu.memory_space<hbm>> -> memref<512xi32, #tpu.memory_space<hbm>>
      %dma_wait3A_10 = tpu.memref_slice %arg2[%mul3A_2] : memref<16384xi32, #tpu.memory_space<hbm>> -> memref<512xi32, #tpu.memory_space<hbm>>
      tpu.wait_dma2 semaphore(%run_scoped3A : memref<!tpu.dma_semaphore, #tpu.memory_space<semaphore_mem>>) src(%dma_wait3A_10 : memref<512xi32, #tpu.memory_space<hbm>>) dst(%arg7 : memref<512xi32, #tpu.memory_space<vmem>>)
      tpu.yield
    }) : () -> ()
    "tpu.region"() ({
      %run_scoped3A = tpu.sem_alloc : memref<!tpu.dma_semaphore, #tpu.memory_space<semaphore_mem>>
      tpu.enqueue_dma source(%arg4 : memref<2048xf32, #tpu.memory_space<hbm>>) target(%arg9 : memref<2048xf32, #tpu.memory_space<vmem>>) target_semaphore(%run_scoped3A : memref<!tpu.dma_semaphore, #tpu.memory_space<semaphore_mem>>)
      tpu.wait_dma2 semaphore(%run_scoped3A : memref<!tpu.dma_semaphore, #tpu.memory_space<semaphore_mem>>) src(%arg4 : memref<2048xf32, #tpu.memory_space<hbm>>) dst(%arg9 : memref<2048xf32, #tpu.memory_space<vmem>>)
      tpu.yield
    }) : () -> ()
    "tpu.region"() ({
      %run_scoped3A = tpu.sem_alloc : memref<!tpu.dma_semaphore, #tpu.memory_space<semaphore_mem>>
      tpu.enqueue_dma source(%arg5 : memref<2048xf32, #tpu.memory_space<hbm>>) target(%arg10 : memref<2048xf32, #tpu.memory_space<vmem>>) target_semaphore(%run_scoped3A : memref<!tpu.dma_semaphore, #tpu.memory_space<semaphore_mem>>)
      tpu.wait_dma2 semaphore(%run_scoped3A : memref<!tpu.dma_semaphore, #tpu.memory_space<semaphore_mem>>) src(%arg5 : memref<2048xf32, #tpu.memory_space<hbm>>) dst(%arg10 : memref<2048xf32, #tpu.memory_space<vmem>>)
      tpu.yield
    }) : () -> ()
    %scan3A = arith.constant 0 : i32
    %scan3A_3 = arith.constant 0 : i32
    %scan3A_4 = arith.constant 32 : i32
    %scan3A_5 = arith.addi %scan3A_3, %scan3A_4 : i32
    %scan3A_6 = arith.constant 1 : i32
    %scan3A_7 = scf.for %scan3A_9 = %scan3A_3 to %scan3A_5 step %scan3A_6 iter_args(%scan3A_10 = %scan3A) -> (i32)  : i32 {
      %mul3A_11 = arith.constant 16 : i32
      %mul3A_12 = arith.muli %scan3A_9, %mul3A_11 : i32
      %dma_start3A = tpu.memref_slice %arg7[%mul3A_12] : memref<512xi32, #tpu.memory_space<vmem>> -> memref<16xi32, #tpu.memory_space<vmem>>
      %dma_start3A_13 = arith.constant 0 : i32
      %dma_start3A_14 = arith.constant 0 : i32
      %dma_start3A_15 = tpu.memref_slice %arg3[%dma_start3A_13, %dma_start3A_14] : memref<30522x2048xf32, #tpu.memory_space<hbm>> -> memref<30522x2048xf32, #tpu.memory_space<hbm>>
      tpu.enqueue_indirect_dma source(%dma_start3A_15 : memref<30522x2048xf32, #tpu.memory_space<hbm>>) target(%arg8 : memref<16x2048xf32, #tpu.memory_space<vmem>>) offsets(%dma_start3A : memref<16xi32, #tpu.memory_space<vmem>>) semaphore(%arg11 : memref<!tpu.dma_semaphore, #tpu.memory_space<semaphore_mem>>)
      %dma_wait3A = tpu.memref_slice %arg7[%mul3A_12] : memref<512xi32, #tpu.memory_space<vmem>> -> memref<16xi32, #tpu.memory_space<vmem>>
      %dma_wait3A_16 = arith.constant 0 : i32
      %dma_wait3A_17 = arith.constant 0 : i32
      %dma_wait3A_18 = tpu.memref_slice %arg3[%dma_wait3A_16, %dma_wait3A_17] : memref<30522x2048xf32, #tpu.memory_space<hbm>> -> memref<30522x2048xf32, #tpu.memory_space<hbm>>
      tpu.wait_indirect_dma semaphore(%arg11 : memref<!tpu.dma_semaphore, #tpu.memory_space<semaphore_mem>>) src(%dma_wait3A_18 : memref<30522x2048xf32, #tpu.memory_space<hbm>>) dst(%arg8 : memref<16x2048xf32, #tpu.memory_space<vmem>>)
      %scan3A_19 = arith.constant 0 : i32
      %scan3A_20 = arith.constant 0 : i32
      %scan3A_21 = arith.constant 16 : i32
      %scan3A_22 = arith.addi %scan3A_20, %scan3A_21 : i32
      %scan3A_23 = arith.constant 1 : i32
      %scan3A_24 = scf.for %scan3A_30 = %scan3A_20 to %scan3A_22 step %scan3A_23 iter_args(%scan3A_31 = %scan3A_19) -> (i32)  : i32 {
        %broadcast_in_dim3A = arith.constant 0.000000e+00 : f32
        %broadcast_in_dim3A_32 = vector.broadcast %broadcast_in_dim3A : f32 to vector<16xf32>
        %scan3A_33 = arith.constant 0 : i32
        %scan3A_34 = arith.constant 128 : i32
        %scan3A_35 = arith.addi %scan3A_33, %scan3A_34 : i32
        %scan3A_36 = arith.constant 1 : i32
        %scan3A_37:2 = scf.for %scan3A_139 = %scan3A_33 to %scan3A_35 step %scan3A_36 iter_args(%scan3A_140 = %broadcast_in_dim3A_32, %scan3A_141 = %broadcast_in_dim3A_32) -> (vector<16xf32>, vector<16xf32>)  : i32 {
          %mul3A_142 = arith.constant 16 : i32
          %mul3A_143 = arith.muli %scan3A_139, %mul3A_142 : i32
          %get3A = arith.index_cast %scan3A_30 : i32 to index
          %get3A_144 = arith.index_cast %mul3A_143 : i32 to index
          %get3A_145 = tpu.vector_load %arg8[%get3A, %get3A_144] {strides = array<i32>} : memref<16x2048xf32, #tpu.memory_space<vmem>>, vector<1x16xf32>,
          %get3A_146 = vector.shape_cast %get3A_145 : vector<1x16xf32> to vector<16xf32>
          %add3A_147 = arith.addf %scan3A_140, %get3A_146 : vector<16xf32>
          %mul3A_148 = arith.mulf %get3A_146, %get3A_146 : vector<16xf32>
          %add3A_149 = arith.addf %scan3A_141, %mul3A_148 : vector<16xf32>
          scf.yield %add3A_147, %add3A_149 : vector<16xf32>, vector<16xf32>
        }
        %scan3A_38 = arith.constant 128 : i32
        %iota3A = tpu.iota {dimensions = array<i32: 0>} : vector<16xi32>
        %xor3A = arith.constant 8 : i32
        %xor3A_39 = vector.broadcast %xor3A : i32 to vector<16xi32>
        %xor3A_40 = arith.xori %iota3A, %xor3A_39 : vector<16xi32>
        %broadcast_in_dim3A_41 = vector.shape_cast %xor3A_40 : vector<16xi32> to vector<16x1xi32>
        %gather3A = vector.shape_cast %broadcast_in_dim3A_41 : vector<16x1xi32> to vector<16xi32>
        %gather3A_42 = tpu.dynamic_gather %scan3A_37#0[%gather3A] in [0] : vector<16xf32>, vector<16xi32> -> vector<16xf32>
        %add3A_43 = arith.addf %scan3A_37#0, %gather3A_42 : vector<16xf32>
        %xor3A_44 = arith.constant 4 : i32
        %xor3A_45 = vector.broadcast %xor3A_44 : i32 to vector<16xi32>
        %xor3A_46 = arith.xori %iota3A, %xor3A_45 : vector<16xi32>
        %broadcast_in_dim3A_47 = vector.shape_cast %xor3A_46 : vector<16xi32> to vector<16x1xi32>
        %gather3A_48 = vector.shape_cast %broadcast_in_dim3A_47 : vector<16x1xi32> to vector<16xi32>
        %gather3A_49 = tpu.dynamic_gather %add3A_43[%gather3A_48] in [0] : vector<16xf32>, vector<16xi32> -> vector<16xf32>
        %add3A_50 = arith.addf %add3A_43, %gather3A_49 : vector<16xf32>
        %xor3A_51 = arith.constant 2 : i32
        %xor3A_52 = vector.broadcast %xor3A_51 : i32 to vector<16xi32>
        %xor3A_53 = arith.xori %iota3A, %xor3A_52 : vector<16xi32>
        %broadcast_in_dim3A_54 = vector.shape_cast %xor3A_53 : vector<16xi32> to vector<16x1xi32>
        %gather3A_55 = vector.shape_cast %broadcast_in_dim3A_54 : vector<16x1xi32> to vector<16xi32>
        %gather3A_56 = tpu.dynamic_gather %add3A_50[%gather3A_55] in [0] : vector<16xf32>, vector<16xi32> -> vector<16xf32>
        %add3A_57 = arith.addf %add3A_50, %gather3A_56 : vector<16xf32>
        %xor3A_58 = arith.constant 1 : i32
        %xor3A_59 = vector.broadcast %xor3A_58 : i32 to vector<16xi32>
        %xor3A_60 = arith.xori %iota3A, %xor3A_59 : vector<16xi32>
        %broadcast_in_dim3A_61 = vector.shape_cast %xor3A_60 : vector<16xi32> to vector<16x1xi32>
        %gather3A_62 = vector.shape_cast %broadcast_in_dim3A_61 : vector<16x1xi32> to vector<16xi32>
        %gather3A_63 = tpu.dynamic_gather %add3A_57[%gather3A_62] in [0] : vector<16xf32>, vector<16xi32> -> vector<16xf32>
        %add3A_64 = arith.addf %add3A_57, %gather3A_63 : vector<16xf32>
        %mul3A_65 = arith.constant 4.8828125E-4 : f32
        %mul3A_66 = vector.broadcast %mul3A_65 : f32 to vector<16xf32>
        %mul3A_67 = arith.mulf %add3A_64, %mul3A_66 : vector<16xf32>
        %iota3A_68 = tpu.iota {dimensions = array<i32: 0>} : vector<16xi32>
        %xor3A_69 = arith.constant 8 : i32
        %xor3A_70 = vector.broadcast %xor3A_69 : i32 to vector<16xi32>
        %xor3A_71 = arith.xori %iota3A_68, %xor3A_70 : vector<16xi32>
        %broadcast_in_dim3A_72 = vector.shape_cast %xor3A_71 : vector<16xi32> to vector<16x1xi32>
        %gather3A_73 = vector.shape_cast %broadcast_in_dim3A_72 : vector<16x1xi32> to vector<16xi32>
        %gather3A_74 = tpu.dynamic_gather %scan3A_37#1[%gather3A_73] in [0] : vector<16xf32>, vector<16xi32> -> vector<16xf32>
        %add3A_75 = arith.addf %scan3A_37#1, %gather3A_74 : vector<16xf32>
        %xor3A_76 = arith.constant 4 : i32
        %xor3A_77 = vector.broadcast %xor3A_76 : i32 to vector<16xi32>
        %xor3A_78 = arith.xori %iota3A_68, %xor3A_77 : vector<16xi32>
        %broadcast_in_dim3A_79 = vector.shape_cast %xor3A_78 : vector<16xi32> to vector<16x1xi32>
        %gather3A_80 = vector.shape_cast %broadcast_in_dim3A_79 : vector<16x1xi32> to vector<16xi32>
        %gather3A_81 = tpu.dynamic_gather %add3A_75[%gather3A_80] in [0] : vector<16xf32>, vector<16xi32> -> vector<16xf32>
        %add3A_82 = arith.addf %add3A_75, %gather3A_81 : vector<16xf32>
        %xor3A_83 = arith.constant 2 : i32
        %xor3A_84 = vector.broadcast %xor3A_83 : i32 to vector<16xi32>
        %xor3A_85 = arith.xori %iota3A_68, %xor3A_84 : vector<16xi32>
        %broadcast_in_dim3A_86 = vector.shape_cast %xor3A_85 : vector<16xi32> to vector<16x1xi32>
        %gather3A_87 = vector.shape_cast %broadcast_in_dim3A_86 : vector<16x1xi32> to vector<16xi32>
        %gather3A_88 = tpu.dynamic_gather %add3A_82[%gather3A_87] in [0] : vector<16xf32>, vector<16xi32> -> vector<16xf32>
        %add3A_89 = arith.addf %add3A_82, %gather3A_88 : vector<16xf32>
        %xor3A_90 = arith.constant 1 : i32
        %xor3A_91 = vector.broadcast %xor3A_90 : i32 to vector<16xi32>
        %xor3A_92 = arith.xori %iota3A_68, %xor3A_91 : vector<16xi32>
        %broadcast_in_dim3A_93 = vector.shape_cast %xor3A_92 : vector<16xi32> to vector<16x1xi32>
        %gather3A_94 = vector.shape_cast %broadcast_in_dim3A_93 : vector<16x1xi32> to vector<16xi32>
        %gather3A_95 = tpu.dynamic_gather %add3A_89[%gather3A_94] in [0] : vector<16xf32>, vector<16xi32> -> vector<16xf32>
        %add3A_96 = arith.addf %add3A_89, %gather3A_95 : vector<16xf32>
        %mul3A_97 = arith.constant 4.8828125E-4 : f32
        %mul3A_98 = vector.broadcast %mul3A_97 : f32 to vector<16xf32>
        %mul3A_99 = arith.mulf %add3A_96, %mul3A_98 : vector<16xf32>
        %mul3A_100 = arith.mulf %mul3A_67, %mul3A_67 : vector<16xf32>
        %sub3A = arith.subf %mul3A_99, %mul3A_100 : vector<16xf32>
        %add3A_101 = arith.constant 9.99999996E-13 : f32
        %add3A_102 = vector.broadcast %add3A_101 : f32 to vector<16xf32>
        %add3A_103 = arith.addf %sub3A, %add3A_102 : vector<16xf32>
        %bitcast_convert_type3A = tpu.bitcast %add3A_103 : vector<16xf32> -> vector<16xi32>
        %shift_right_logical3A = arith.constant 1 : i32
        %shift_right_logical3A_104 = vector.broadcast %shift_right_logical3A : i32 to vector<16xi32>
        %shift_right_logical3A_105 = arith.shrui %bitcast_convert_type3A, %shift_right_logical3A_104 : vector<16xi32>
        %sub3A_106 = arith.constant 1597463007 : i32
        %sub3A_107 = vector.broadcast %sub3A_106 : i32 to vector<16xi32>
        %sub3A_108 = arith.subi %sub3A_107, %shift_right_logical3A_105 : vector<16xi32>
        %bitcast_convert_type3A_109 = tpu.bitcast %sub3A_108 : vector<16xi32> -> vector<16xf32>
        %mul3A_110 = arith.constant 5.000000e-01 : f32
        %mul3A_111 = vector.broadcast %mul3A_110 : f32 to vector<16xf32>
        %mul3A_112 = arith.mulf %mul3A_111, %add3A_103 : vector<16xf32>
        %mul3A_113 = arith.mulf %mul3A_112, %bitcast_convert_type3A_109 : vector<16xf32>
        %mul3A_114 = arith.mulf %mul3A_113, %bitcast_convert_type3A_109 : vector<16xf32>
        %sub3A_115 = arith.constant 1.500000e+00 : f32
        %sub3A_116 = vector.broadcast %sub3A_115 : f32 to vector<16xf32>
        %sub3A_117 = arith.subf %sub3A_116, %mul3A_114 : vector<16xf32>
        %mul3A_118 = arith.mulf %bitcast_convert_type3A_109, %sub3A_117 : vector<16xf32>
        %mul3A_119 = arith.mulf %mul3A_112, %mul3A_118 : vector<16xf32>
        %mul3A_120 = arith.mulf %mul3A_119, %mul3A_118 : vector<16xf32>
        %sub3A_121 = arith.constant 1.500000e+00 : f32
        %sub3A_122 = vector.broadcast %sub3A_121 : f32 to vector<16xf32>
        %sub3A_123 = arith.subf %sub3A_122, %mul3A_120 : vector<16xf32>
        %mul3A_124 = arith.mulf %mul3A_118, %sub3A_123 : vector<16xf32>
        %mul3A_125 = arith.mulf %mul3A_112, %mul3A_124 : vector<16xf32>
        %mul3A_126 = arith.mulf %mul3A_125, %mul3A_124 : vector<16xf32>
        %sub3A_127 = arith.constant 1.500000e+00 : f32
        %sub3A_128 = vector.broadcast %sub3A_127 : f32 to vector<16xf32>
        %sub3A_129 = arith.subf %sub3A_128, %mul3A_126 : vector<16xf32>
        %mul3A_130 = arith.mulf %mul3A_124, %sub3A_129 : vector<16xf32>
        %scan3A_131 = arith.constant 0 : i32
        %scan3A_132 = arith.constant 0 : i32
        %scan3A_133 = arith.constant 128 : i32
        %scan3A_134 = arith.addi %scan3A_132, %scan3A_133 : i32
        %scan3A_135 = arith.constant 1 : i32
        %scan3A_136 = scf.for %scan3A_139 = %scan3A_132 to %scan3A_134 step %scan3A_135 iter_args(%scan3A_140 = %scan3A_131) -> (i32)  : i32 {
          %mul3A_141 = arith.constant 16 : i32
          %mul3A_142 = arith.muli %scan3A_139, %mul3A_141 : i32
          %get3A = arith.index_cast %scan3A_30 : i32 to index
          %get3A_143 = arith.index_cast %mul3A_142 : i32 to index
          %get3A_144 = tpu.vector_load %arg8[%get3A, %get3A_143] {strides = array<i32>} : memref<16x2048xf32, #tpu.memory_space<vmem>>, vector<1x16xf32>,
          %get3A_145 = vector.shape_cast %get3A_144 : vector<1x16xf32> to vector<16xf32>
          %sub3A_146 = arith.subf %get3A_145, %mul3A_67 : vector<16xf32>
          %mul3A_147 = arith.mulf %sub3A_146, %mul3A_130 : vector<16xf32>
          %get3A_148 = arith.index_cast %mul3A_142 : i32 to index
          %get3A_149 = tpu.vector_load %arg9[%get3A_148] {strides = array<i32>} : memref<2048xf32, #tpu.memory_space<vmem>>, vector<16xf32>,
          %get3A_150 = vector.shape_cast %get3A_149 : vector<16xf32> to vector<16xf32>
          %mul3A_151 = arith.mulf %mul3A_147, %get3A_150 : vector<16xf32>
          %get3A_152 = arith.index_cast %mul3A_142 : i32 to index
          %get3A_153 = tpu.vector_load %arg10[%get3A_152] {strides = array<i32>} : memref<2048xf32, #tpu.memory_space<vmem>>, vector<16xf32>,
          %get3A_154 = vector.shape_cast %get3A_153 : vector<16xf32> to vector<16xf32>
          %add3A_155 = arith.addf %mul3A_151, %get3A_154 : vector<16xf32>
          %swap3A = arith.index_cast %scan3A_30 : i32 to index
          %swap3A_156 = arith.index_cast %mul3A_142 : i32 to index
          %swap3A_157 = tpu.vector_load %arg8[%swap3A, %swap3A_156] {strides = array<i32>} : memref<16x2048xf32, #tpu.memory_space<vmem>>, vector<1x16xf32>,
          %swap3A_158 = vector.shape_cast %swap3A_157 : vector<1x16xf32> to vector<16xf32>
          %swap3A_159 = vector.shape_cast %add3A_155 : vector<16xf32> to vector<1x16xf32>
          tpu.vector_store %arg8[%swap3A, %swap3A_156], %swap3A_159 {strides = array<i32>} : memref<16x2048xf32, #tpu.memory_space<vmem>>, vector<1x16xf32>,
          %scan3A_160 = arith.constant 0 : i32
          scf.yield %scan3A_160 : i32
        }
        %scan3A_137 = arith.constant 128 : i32
        %scan3A_138 = arith.constant 0 : i32
        scf.yield %scan3A_138 : i32
      }
      %scan3A_25 = arith.constant 16 : i32
      %mul3A_26 = arith.constant 16 : i32
      %mul3A_27 = arith.muli %scan3A_9, %mul3A_26 : i32
      %add3A_28 = arith.addi %mul3A_2, %mul3A_27 : i32
      "tpu.region"() ({
        %run_scoped3A = tpu.sem_alloc : memref<!tpu.dma_semaphore, #tpu.memory_space<semaphore_mem>>
        %dma_start3A_30 = arith.constant 0 : i32
        %dma_start3A_31 = tpu.memref_slice %arg6[%add3A_28, %dma_start3A_30] : memref<16384x2048xf32, #tpu.memory_space<hbm>> -> memref<16x2048xf32, #tpu.memory_space<hbm>>
        %dma_start3A_32 = arith.constant 0 : i32
        %dma_start3A_33 = tpu.memref_slice %arg6[%add3A_28, %dma_start3A_32] : memref<16384x2048xf32, #tpu.memory_space<hbm>> -> memref<16x2048xf32, #tpu.memory_space<hbm>>
        tpu.enqueue_dma source(%arg8 : memref<16x2048xf32, #tpu.memory_space<vmem>>) target(%dma_start3A_33 : memref<16x2048xf32, #tpu.memory_space<hbm>>) target_semaphore(%run_scoped3A : memref<!tpu.dma_semaphore, #tpu.memory_space<semaphore_mem>>)
        %dma_wait3A_34 = arith.constant 0 : i32
        %dma_wait3A_35 = tpu.memref_slice %arg6[%add3A_28, %dma_wait3A_34] : memref<16384x2048xf32, #tpu.memory_space<hbm>> -> memref<16x2048xf32, #tpu.memory_space<hbm>>
        %dma_wait3A_36 = arith.constant 0 : i32
        %dma_wait3A_37 = tpu.memref_slice %arg6[%add3A_28, %dma_wait3A_36] : memref<16384x2048xf32, #tpu.memory_space<hbm>> -> memref<16x2048xf32, #tpu.memory_space<hbm>>
        tpu.wait_dma2 semaphore(%run_scoped3A : memref<!tpu.dma_semaphore, #tpu.memory_space<semaphore_mem>>) src(%arg8 : memref<16x2048xf32, #tpu.memory_space<vmem>>) dst(%dma_wait3A_37 : memref<16x2048xf32, #tpu.memory_space<hbm>>)
        tpu.yield
      }) : () -> ()
      %scan3A_29 = arith.constant 0 : i32
      scf.yield %scan3A_29 : i32
    }
    %scan3A_8 = arith.constant 32 : i32
    return
  }
}

</mosaic_0001>

<sc_bundles>
// kernel: kernel.3.cloned.1.call-start
scs
__scs_entry_jumppad:
0x0: {  	(pc) =	sbr.rel $0x88, $3  }
0x1: {  	(tag) =	ssettag $0x0;
	lr =	simm.s32 $0x1  }
0x2: {  	[smem:$0x3F9D] =	sst lr;
	_ =	strace $0xD0000000  }
0x3: {  	_ = 	snop  }
0x4: {  	_ = 	snop  }
0x5: {  	_ = 	snop  }
0x6: {  	_ = 	snop  }
0x7: {  	_ = 	snop  }
__scs_overlays_trampoline_lowered:
0x8: {  	[smem:$0x3FAC] =	sst s0  }
0x9: {  	[smem:$0x3FAD] =	sst s1  }
0xa: {  	[smem:$0x3FAE] =	sst s2  }
0xb: {  	[smem:$0x3FAF] =	sst s3  }
0xc: {  	[smem:$0x3FB0] =	sst s4  }
0xd: {  	[smem:$0x3FB1] =	sst s5  }
0xe: {  	[smem:$0x3FB2] =	sst s6  }
0xf: {  	[smem:$0x3FB3] =	sst s7  }
0x10: {  	[smem:$0x3FB4] =	sst s8  }
0x11: {  	[smem:$0x3FB5] =	sst s9;
	s0 =	simm.s32 @!p0 $0x0  }
0x12: {  	s1 =	sld [smem:$0x3F9B];
	s0 =	simm.s32 @p0 $0x1  }
0x13: {  	[smem:$0x3FB6] =	sst s0;
	s0 =	simm.s32 @!p1 $0x0  }
0x14: {  	s2 =	sld [smem:$0x3F9A];
	s0 =	simm.s32 @p1 $0x1  }
0x15: {  	[smem:$0x3FB7] =	sst s0;
	s0 =	simm.s32 @!p2 $0x0  }
0x16: {  	s3 =	sld [smem:$0x3FDB];
	s0 =	simm.s32 @p2 $0x1  }
0x17: {  	s4 =	simm.s32 $0x1BF5;
	[smem:$0x3FB9] =	sst s0  }
0x18: {  	s0 =	sld [smem:$0x3F9C];
	_ =	swait.ge [sflag:s4], $0x0  }
0x19: {  	s7 =	sld [smem:$0x3F9D]  }
0x1a: {  	s8 =	sadd.s32 $0xFFFFE003, lr  }
0x1b: {  	s9 =	sadd.s32 $0xFFFFFEF7, lr;
	s5 =	simm.s32 $0xFFFFFFFF;
	p2 =	slt.u32 s8, $0xFFFFF086  }
0x1c: {  	p1 =	slt.u32 s9, $0xF7A;
	s5 =	simm.s32 @!p2 $0x0  }
0x1d: {  	s5 =	simm.s32 @p1 $0x1;
	p0 =	seq.s32 s7, s2  }
0x1e: {  	s7 =	smul.u32 @!p0 $0xF7A, s2;
	p2 =	seq.s32 @!p0 s5, $0x0  }
0x1f: {  	s9 =	smul.u32 $0xF7A, s1;
	s8 =	simm.s32 @!p0 $0x1BF5;
	p2 =	por !p2, p0  }
0x20: {  	[sflag:s8] =	ssyncset.s32 @!p0 $0xFFFFF086;
	s6 =	sadd.s32 @!p0 s3, s7;
	s7 =	simm.s32 @!p0 $0x108  }
0x21: {  	s3 =	sadd.s32 s3, s9;
	s6 =	sadd.s32 @!p0 $0x88, s6;
	s7 =	simm.s32 @p2 $0x1082  }
0x22: {  	[simem:s7], [sflag:s8] =	dma.local @!p0 [hbm:s6], $0xF7A  }
0x23: {  	s9 =	sor.u32 $0xD0000000, s2;
	s6 =	simm.s32 $0x108;
	_ =	swait.ge @!p0 [sflag:s8], $0x0  }
0x24: {  	s3 =	sadd.s32 $0x88, s3;
	s6 =	simm.s32 @!p1 $0x1082;
	[sflag:s4] =	ssyncset.s32 $0xFFFFF086  }
0x25: {  	[simem:s6], [sflag:s4] =	dma.local [hbm:s3], $0xF7A  }
0x26: {  	[smem:$0x3F9D] =	sst s1;
	(tag) =	ssettag s2;
	_ =	strace s9  }
0x27: {  	s1 =	sld [smem:$0x3FAD]  }
0x28: {  	s2 =	sld [smem:$0x3FAE]  }
0x29: {  	s4 =	sld [smem:$0x3FB0]  }
0x2a: {  	p0 =	seq.s32 s5, $0x0;
	s5 =	sld [smem:$0x3FB1]  }
0x2b: {  	s6 =	sld [smem:$0x3FB2]  }
0x2c: {  	s7 =	sld [smem:$0x3FB3]  }
0x2d: {  	s3 =	simm.s32 $0x108;
	s8 =	sld [smem:$0x3FB4]  }
0x2e: {  	s3 =	simm.s32 @!p0 $0x1082;
	s9 =	sld [smem:$0x3FB5]  }
0x2f: {  	lr =	sadd.s32 s0, s3;
	s0 =	sld [smem:$0x3FAC]  }
0x30: {  	s3 =	sld [smem:$0x3FAF]  }
0x31: {  	[smem:$0x3FB8] =	sst s10  }
0x32: {  	s10 =	sld [smem:$0x3FB6];
	_ =	sdelay $0x3  }
0x33: {  	p0 =	seq.s32 s10, $0x1;
	s10 =	sld [smem:$0x3FB8];
	_ =	sdelay $0x3  }
0x34: {  	[smem:$0x3FB8] =	sst s10  }
0x35: {  	s10 =	sld [smem:$0x3FB7];
	_ =	sdelay $0x3  }
0x36: {  	p1 =	seq.s32 s10, $0x1;
	s10 =	sld [smem:$0x3FB8];
	_ =	sdelay $0x3  }
0x37: {  	[smem:$0x3FB8] =	sst s10  }
0x38: {  	s10 =	sld [smem:$0x3FB9]  }
0x39: {  	_ = 	snop;
	(pc) =	sbr.ind lr, $3  }
0x3a: {  	_ = 	snop  }
0x3b: {  	_ = 	snop  }
0x3c: {  	p2 =	seq.s32 s10, $0x1;
	s10 =	sld [smem:$0x3FB8]  }
0x3d: {  	_ =	shalt  }
0x3e: {  	_ =	shalt  }
0x3f: {  	_ =	shalt  }
0x40: {  	_ =	shalt  }
0x41: {  	_ =	shalt  }
0x42: {  	_ =	shalt  }
0x43: {  	_ =	shalt  }
0x44: {  	_ =	shalt  }
0x45: {  	_ =	shalt  }
0x46: {  	_ =	shalt  }
0x47: {  	_ =	shalt  }
0x48: {  	_ =	shalt  }
0x49: {  	_ =	shalt  }
0x4a: {  	_ =	shalt  }
0x4b: {  	_ =	shalt  }
0x4c: {  	_ =	shalt  }
0x4d: {  	_ =	shalt  }
0x4e: {  	_ =	shalt  }
0x4f: {  	_ =	shalt  }
0x50: {  	_ =	shalt  }
0x51: {  	_ =	shalt  }
0x52: {  	_ =	shalt  }
0x53: {  	_ =	shalt  }
0x54: {  	_ =	shalt  }
0x55: {  	_ =	shalt  }
0x56: {  	_ =	shalt  }
0x57: {  	_ =	shalt  }
0x58: {  	_ =	shalt  }
0x59: {  	_ =	shalt  }
0x5a: {  	_ =	shalt  }
0x5b: {  	_ =	shalt  }
0x5c: {  	_ =	shalt  }
0x5d: {  	_ =	shalt  }
0x5e: {  	_ =	shalt  }
0x5f: {  	_ =	shalt  }
0x60: {  	_ =	shalt  }
0x61: {  	_ =	shalt  }
0x62: {  	_ =	shalt  }
0x63: {  	_ =	shalt  }
0x64: {  	_ =	shalt  }
0x65: {  	_ =	shalt  }
0x66: {  	_ =	shalt  }
0x67: {  	_ =	shalt  }
0x68: {  	_ =	shalt  }
0x69: {  	_ =	shalt  }
0x6a: {  	_ =	shalt  }
0x6b: {  	_ =	shalt  }
0x6c: {  	_ =	shalt  }
0x6d: {  	_ =	shalt  }
0x6e: {  	_ =	shalt  }
0x6f: {  	_ =	shalt  }
0x70: {  	_ =	shalt  }
0x71: {  	_ =	shalt  }
0x72: {  	_ =	shalt  }
0x73: {  	_ =	shalt  }
0x74: {  	_ =	shalt  }
0x75: {  	_ =	shalt  }
0x76: {  	_ =	shalt  }
0x77: {  	_ =	shalt  }
0x78: {  	_ =	shalt  }
0x79: {  	_ =	shalt  }
0x7a: {  	_ =	shalt  }
0x7b: {  	_ =	shalt  }
0x7c: {  	_ =	shalt  }
0x7d: {  	_ =	shalt  }
0x7e: {  	_ =	shalt  }
0x7f: {  	_ =	shalt  }
0x80: {  	_ =	shalt  }
0x81: {  	_ =	shalt  }
0x82: {  	_ =	shalt  }
0x83: {  	_ =	shalt  }
0x84: {  	_ =	shalt  }
0x85: {  	_ =	shalt  }
0x86: {  	_ =	shalt  }
0x87: {  	_ =	shalt  }
.Lfunc_end0:
.L_simem_size_0:
called_computation_lowered:
.L_overlay_start_0:
0x88: {  	s2 =	sld [smem:$0x3FD9]  }
0x89: {  	s3 =	sld [smem:$0x3FFE];
	_ =	sdelay $0x1  }
0x8a: {  	s1 =	srdreg.scid  }
0x8b: {  	s0 =	sand.u32 $0x1, s1  }
0x8c: {  	s17 =	sshll.u32 s0, $0xA;
	s2 =	sadd.s32 s3, s2  }
0x8d: {  	s2 =	sadd.s32 s2, s17  }
0x8e: {  	[smem:$0x3FC4] =	sst s2  }
0x8f: {  	_ = 	snop  }
0x90: {  	s2 =	sld [smem:$0x3FC8]  }
0x91: {  	s18 =	sld [smem:$0x3FC7]  }
0x92: {  	s4 =	sld [smem:$0x3FC6]  }
0x93: {  	s5 =	sld [smem:$0x3FD0];
	(tm) =	ssettm $0x1  }
0x94: {  	s6 =	sld [smem:$0x3FFB];
	_ =	sdelay $0x3  }
0x95: {  	_ =	strace s6  }
0x96: {  	s6 =	sld [smem:$0x3FFC];
	_ =	sdelay $0x3  }
0x97: {  	_ =	strace s6  }
0x98: {  	s6 =	sld [smem:$0x3FFD];
	_ =	sdelay $0x3  }
0x99: {  	_ =	strace s6  }
0x9a: {  	_ =	strace $0x8FFFFFFF  }
0x9b: {  	s19 =	sld [smem:$0x3FDB];
	_ =	sdelay $0x1  }
0x9c: {  	s7 =	simm.s32 $_scs_section_size  }
0x9d: {  	s8 =	simm.s32 $_size__tile_overlayer_lowered;
	s9 =	simm.s32 $_tile_overlayer_lowered  }
0x9e: {  	s22 =	simm.s32 $0x1BFF;
	s21 =	sshll.u32 s9, $0x1;
	s6 =	sadd.s32 s7, s19  }
0x9f: {  	s10 =	simm.s32 $0x0;
	s20 =	sshll.u32 s8, $0x1;
	s8 =	sadd.s32 s21, s6  }
0xa0: {  	[timem:s10], [sflag:s22] =	dma.local [hbm:s8], s20  }
0xa1: {  	_ =	swait.ge [sflag:s22], s20  }
0xa2: {  	s7 =	ssub.s32 $0x0, s20;
	[sflag:s22] =	ssyncset.done $0x0  }
0xa3: {  	[sflag:s22] =	ssyncadd.s32 s7;
	_ =	sdelay $0x1  }
0xa4: {  	s23 =	simm.s32 $0x1B8B  }
0xa5: {  	_ =	swait.ge [sflag:s23], $0x1  }
0xa6: {  	[sflag:s23] =	ssyncset.done $0x0  }
0xa7: {  	s25 =	simm.s32 $0x1B8E;
	s24 =	sld [smem:$0x3FFE];
	[sflag:s23] =	ssyncadd.s32 $0xFFFFFFFF  }
0xa8: {  	s26 =	simm.s32 $execute0_lowered;
	[smem:$0x3FD2] =	sst s25  }
0xa9: {  	s8 =	sshll.u32 s26, $0x1;
	_ =	strace $0x80000046;
	[dreg:$0x1] =	wrdreg $0xFFFFFFFF  }
0xaa: {  	s28 =	simm.s32 $_size_execute0_lowered;
	s6 =	sadd.s32 s6, s8;
	[dreg:$0x0] =	wrdreg $0x0  }
0xab: {  	s8 =	sshll.u32 s28, $0x1;
	[dreg:$0x2] =	wrdreg s6  }
0xac: {  	[dreg:$0x3] =	wrdreg s8  }
0xad: {  	[dreg:$0x4] =	wrdreg $0xC0  }
0xae: {  	_ =	task [dreg:s10], $0x5FFFF  }
0xaf: {  	[dreg:$0x1] =	wrdreg $0xFFFFFFFF  }
0xb0: {  	[dreg:$0x0] =	wrdreg $0x60  }
0xb1: {  	[dreg:$0x2] =	wrdreg s24  }
0xb2: {  	[dreg:$0x3] =	wrdreg s2  }
0xb3: {  	[dreg:$0x4] =	wrdreg s18  }
0xb4: {  	[dreg:$0x5] =	wrdreg s4  }
0xb5: {  	[dreg:$0x6] =	wrdreg s5  }
0xb6: {  	[dreg:$0x7] =	wrdreg $0x9  }
0xb7: {  	_ =	task.clear_ibuf [dreg:s10], $0x8FFFF;
	_ =	strace $0x90000046  }
0xb8: {  	s29 =	simm.s32 $0x9;
	_ =	strace $0x80000048  }
0xb9: {  	_ =	swait.ge [sflag:s29], $0x1  }
0xba: {  	[sflag:s29] =	ssyncadd.s32 $0xFFFFFFFF  }
0xbb: {  	_ =	strace $0x90000048  }
0xbc: {  	_ =	sfence  }
0xbd: {  	s30 =	sld [smem:$0x0];
	_ =	sdelay $0x2  }
0xbe: {  	s31 =	sshll.u32 s1, $0xD;
	s1 =	sshrl.u32 s1, $0x2  }
0xbf: {  	s3 =	sand.u32 $0x4000, s31;
	s1 =	sadd.s32 s1, s30  }
0xc0: {  	s0 =	sor.u32 s3, s0;
	s1 =	sshll.u32 s1, $0x11  }
0xc1: {  	s0 =	sor.u32 s1, s0  }
0xc2: {  	s0 =	sadd.s32 $0x8F2B, s0  }
0xc3: {  	[sflag:s0] =	ssyncadd.remote.s32 $0x1  }
0xc4: {  	_ =	sfence.sel $0xFFFF  }
0xc5: {  	[dreg:$0x0] =	wrdreg $0xFFFFFFFF;
	(pc) =	sbr.abs _section_cstart, $3  }
0xc6: {  	[dreg:$0x1] =	wrdreg $0xFFFFFFFF  }
0xc7: {  	_ =	task.clear_ibuf [dreg:s10], $0x2FFFF;
	_ =	strace $0x9FFFFFFF  }
0xc8: {  	(tm) =	ssettm $0x7FFFFFFF  }
0xc9: {  	_ =	shalt  }
tec
execute0_lowered:
.L_overlay_start_1:
0x0: {  	(tag) =	ssettag $0x1  }
0x1: {  	s1 =	rddreg [dreg:$0x0]  }
0x2: {  	s0 =	rddreg [dreg:$0x1];
	v0 =	vimm.s32 $0xBA98FEDC;
	v1 =	vimm.s32 $0x76543210;
	v2 =	vimm.s32 $0xFEDCBA98  }
0x3: {  	s2 =	srdreg.scid;
	s3 =	stileid.u32;
	v3 =	vimm.s32 $0x32107654;
	v4 =	vimm.s32 $0xDCFE98BA;
	v5 =	vimm.s32 $0x54761032  }
0x4: {  	s5 =	simm.s32 $0x0;
	v6 =	vimm.s32 $0xEFCDAB89;
	v7 =	vimm.s32 $0x67452301;
	s17 =	simm.s32 $0x2;
	s20 =	simm.s32 $0x200  }
0x5: {  	vm0 =	vmmov $0xffff;
	s18 =	simm.s32 $0x7A00;
	s19 =	simm.s32 $0x1;
	s6 =	simm.s32 $0x0;
	v0 =	vunpack.c.l.s4.s8 v0;
	v3 =	vunpack.c.l.s4.s8 v3  }
0x6: {  	s31 =	simm.s32 $0x0;
	s2 =	sand.u32 $0x1, s2;
	s3 =	sshll.u32 s3, $0xA;
	v1 =	vunpack.c.l.s4.s8 v1;
	v4 =	vunpack.c.l.s4.s8 v4;
	v5 =	vunpack.c.l.s4.s8 v5  }
0x7: {  	[smem:$0x7FF] =	sst s5;
	s9 =	sadd.s32 $0x200, s0;
	s10 =	sadd.s32 $0x300, s0;
	v2 =	vunpack.c.l.s4.s8 v2;
	v0 =	vunpack.c.0.s8.s32 v0;
	v3 =	vunpack.c.0.s8.s32 v3  }
0x8: {  	s11 =	sadd.s32 $0x100, s0;
	s12 =	sadd.s32 $0x400, s0;
	s13 =	sadd.s32 $0x500, s0;
	v6 =	vunpack.c.l.s4.s8 v6;
	v7 =	vunpack.c.l.s4.s8 v7;
	v4 =	vunpack.c.0.s8.s32 v4  }
0x9: {  	s14 =	sadd.s32 $0x600, s0;
	s4 =	sshll.u32 s2, $0x9;
	s2 =	ssub.s32 $0x2, s2;
	v5 =	vunpack.c.0.s8.s32 v5;
	v2 =	vunpack.c.0.s8.s32 v2;
	v8 =	vcombine.low v3, v0  }
0xa: {  	s15 =	sadd.s32 $0x700, s0;
	s7 =	sor.u32 s4, s3;
	s29 =	sshrl.u32 s2, $0x1;
	v0 =	vunpack.c.0.s8.s32 v6;
	v3 =	vunpack.c.0.s8.s32 v7;
	v6 =	vlaneseq.u32  }
0xb: {  	_ =	strace $0x80000047;
	s3 =	sshrl.u32 s7, $0x3;
	s2 =	ssub.s32 s2, s29;
	v5 =	vcombine.low v5, v4;
	v7 =	vunpack.c.0.s8.s32 v1;
	v4 =	vshrl.u32 v6, $0x3  }
0xc: {  	s4 =	simm.s32 $0x7200;
	s1 =	sadd.s32 s3, s1;
	s30 =	smax.u32 s2, $0x1;
	v9 =	vcombine.low v3, v0;
	v0 =	vand.u32 $0x7, v6;
	v1 =	vmul.u32 $0x8, v4  }
0xd: {  	s2 =	simm.s32 $0x6200;
	s1 =	sadd.s32 $0x400, s1;
	[dreg:$0x7] =	wrdreg s30;
	v3 =	vand.u32 $0xF, v2;
	v2 =	vor.u32 $0x8, v6;
	v4 =	vand.u32 $0xF, v8  }
0xe: {  	s3 =	simm.s32 $0x6A00;
	[dreg:$0x6] =	wrdreg s1;
	s1 =	simm.s32 $0x5A00;
	v5 =	vand.u32 $0xF, v5;
	v3 =	vcombine.low v3, v7;
	v6 =	vand.u32 $0xF, v9  }
.LBB2_1:
0xf: {  	[dreg:$0x8] =	wrdreg s6  }
0x10: {  	s26 =	simm.s32 $0x0;
	s5 =	rddreg [dreg:$0x6]  }
0x11: {  	[tilespmem:s26], [sflag:$0x2] =	stream.linear.gather [hbm4b:s5+s26], $0x200, $0x38;
	[tilespmem:$0x9200] =	vst v63  }
0x12: {  	_ =	swait.ge [sflag:s17], $0x200  }
0x13: {  	[sflag:s17] =	ssyncset.done $0x0  }
0x14: {  	[sflag:s17] =	ssyncadd.s32 $0xFFFFFE00  }
0x15: {  	s8 =	simm.s32 $0x8200;
	s28 =	rddreg [dreg:$0x2]  }
0x16: {  	[tilespmem:s8], [sflag:$0x2] =	stream.linear.gather [hbm4b:s28+s26], $0x800, $0x38;
	[tilespmem:$0x9200] =	vst v63  }
0x17: {  	_ =	swait.ge [sflag:s17], $0x800  }
0x18: {  	[sflag:s17] =	ssyncset.done $0x0  }
0x19: {  	[sflag:s17] =	ssyncadd.s32 $0xFFFFF800  }
0x1a: {  	s30 =	simm.s32 $0x8A00;
	s29 =	rddreg [dreg:$0x3]  }
0x1b: {  	[tilespmem:s30], [sflag:$0x2] =	stream.linear.gather [hbm4b:s29+s26], $0x800, $0x38;
	[tilespmem:$0x9200] =	vst v63  }
0x1c: {  	_ =	swait.ge [sflag:s17], $0x800  }
0x1d: {  	[sflag:s17] =	ssyncset.done $0x0  }
0x1e: {  	s16 =	simm.s32 $0x0;
	[sflag:s17] =	ssyncadd.s32 $0xFFFFF800  }
.LBB2_2:
0x1f: {  	s8 =	sshll.u32 s16, $0x4  }
0x20: {  	v7 =	vld [tilespmem:s8+$0x0];
	_ =	sdelay $0x4  }
0x21: {  	v8 =	vshll.u32 v7, $0x4  }
0x22: {  	v7 =	vand.u32 $0x7, v7;
	v8 =	vand.u32 $0xFFFFFF80, v8  }
0x23: {  	v7 =	vor.u32 v7, v8  }
0x24: {  	v8 =	vperm.xlane v7, v0;
	_ =	sdelay $0x1  }
0x25: {  	v8 =	vadd.s32 v1, v8;
	_ =	sdelay $0x3  }
0x26: {  	s5 =	simm.s32 $0x0  }
0x27: {  	[tilespmem:s20], [sflag:$0x1] =	stream.indirect_vreg.gather [hbm4b:s0+s5], $0x80, v8, vm0, $0xb8;
	[tilespmem:$0x9200] =	vst v63  }
0x28: {  	s6 =	simm.s32 $0xA00  }
0x29: {  	[tilespmem:s6], [sflag:$0x1] =	stream.indirect_vreg.gather [hbm4b:s11+s5], $0x80, v8, vm0, $0xb8;
	[tilespmem:$0x9200] =	vst v63  }
0x2a: {  	s21 =	simm.s32 $0x1200  }
0x2b: {  	[tilespmem:s21], [sflag:$0x1] =	stream.indirect_vreg.gather [hbm4b:s9+s5], $0x80, v8, vm0, $0xb8;
	[tilespmem:$0x9200] =	vst v63  }
0x2c: {  	s22 =	simm.s32 $0x1A00  }
0x2d: {  	[tilespmem:s22], [sflag:$0x1] =	stream.indirect_vreg.gather [hbm4b:s10+s5], $0x80, v8, vm0, $0xb8;
	[tilespmem:$0x9200] =	vst v63  }
0x2e: {  	s23 =	simm.s32 $0x2200  }
0x2f: {  	[tilespmem:s23], [sflag:$0x1] =	stream.indirect_vreg.gather [hbm4b:s12+s5], $0x80, v8, vm0, $0xb8;
	[tilespmem:$0x9200] =	vst v63  }
0x30: {  	s24 =	simm.s32 $0x2A00;
	v7 =	vperm.xlane v7, v2  }
0x31: {  	[tilespmem:s24], [sflag:$0x1] =	stream.indirect_vreg.gather [hbm4b:s13+s5], $0x80, v8, vm0, $0xb8;
	[tilespmem:$0x9200] =	vst v63  }
0x32: {  	s25 =	simm.s32 $0x3200;
	v7 =	vadd.s32 v1, v7  }
0x33: {  	[tilespmem:s25], [sflag:$0x1] =	stream.indirect_vreg.gather [hbm4b:s14+s5], $0x80, v8, vm0, $0xb8;
	[tilespmem:$0x9200] =	vst v63  }
0x34: {  	s26 =	simm.s32 $0x3A00  }
0x35: {  	[tilespmem:s26], [sflag:$0x1] =	stream.indirect_vreg.gather [hbm4b:s15+s5], $0x80, v8, vm0, $0xb8;
	[tilespmem:$0x9200] =	vst v63  }
0x36: {  	s28 =	simm.s32 $0x4200  }
0x37: {  	[tilespmem:s28], [sflag:$0x1] =	stream.indirect_vreg.gather [hbm4b:s0+s5], $0x80, v7, vm0, $0xb8;
	[tilespmem:$0x9200] =	vst v63  }
0x38: {  	s29 =	simm.s32 $0x4A00  }
0x39: {  	[tilespmem:s29], [sflag:$0x1] =	stream.indirect_vreg.gather [hbm4b:s11+s5], $0x80, v7, vm0, $0xb8;
	[tilespmem:$0x9200] =	vst v63  }
0x3a: {  	s30 =	simm.s32 $0x5200  }
0x3b: {  	[tilespmem:s30], [sflag:$0x1] =	stream.indirect_vreg.gather [hbm4b:s9+s5], $0x80, v7, vm0, $0xb8;
	[tilespmem:$0x9200] =	vst v63  }
0x3c: {  	_ = 	snop  }
0x3d: {  	[tilespmem:s1], [sflag:$0x1] =	stream.indirect_vreg.gather [hbm4b:s10+s5], $0x80, v7, vm0, $0xb8;
	[tilespmem:$0x9200] =	vst v63  }
0x3e: {  	_ = 	snop  }
0x3f: {  	[tilespmem:s2], [sflag:$0x1] =	stream.indirect_vreg.gather [hbm4b:s12+s5], $0x80, v7, vm0, $0xb8;
	[tilespmem:$0x9200] =	vst v63  }
0x40: {  	_ = 	snop  }
0x41: {  	[tilespmem:s3], [sflag:$0x1] =	stream.indirect_vreg.gather [hbm4b:s13+s5], $0x80, v7, vm0, $0xb8;
	[tilespmem:$0x9200] =	vst v63  }
0x42: {  	_ = 	snop  }
0x43: {  	[tilespmem:s4], [sflag:$0x1] =	stream.indirect_vreg.gather [hbm4b:s14+s5], $0x80, v7, vm0, $0xb8;
	[tilespmem:$0x9200] =	vst v63  }
0x44: {  	_ = 	snop  }
0x45: {  	[tilespmem:s18], [sflag:$0x1] =	stream.indirect_vreg.gather [hbm4b:s15+s5], $0x80, v7, vm0, $0xb8;
	[tilespmem:$0x9200] =	vst v63  }
0x46: {  	_ =	swait.ge [sflag:s19], $0x8000  }
0x47: {  	[sflag:s19] =	ssyncset.done $0x0  }
0x48: {  	s6 =	simm.s32 $0x0;
	[sflag:s19] =	ssyncadd.s32 $0xFFFF8000  }
.LBB2_3:
0x49: {  	s21 =	sshll.u32 s6, $0xB;
	s22 =	sshll.u32 s6, $0x7  }
0x4a: {  	s21 =	sand.u32 $0x4000, s21;
	s22 =	sand.u32 $0x380, s22  }
0x4b: {  	s21 =	sor.u32 s22, s21  }
0x4c: {  	s30 =	sand.u32 $0x3C00, s5;
	s21 =	sadd.s32 $0x200, s21  }
0x4d: {  	s23 =	sand.u32 $0x70, s5;
	s22 =	sadd.s32 s30, s21  }
0x4e: {  	s23 =	sadd.s32 s23, s22  }
0x4f: {  	v9 =	vld [tilespmem:s23+$0x0]  }
0x50: {  	v7 =	vimm.f32 $0.0e+00;
	v8 =	vimm.f32 $0.0e+00;
	s22 =	simm.s32 $0x10;
	s23 =	simm.s32 $0x80  }
.LBB2_4:
0x51: {  	s24 =	sand.u32 $0x3C00, s23  }
0x52: {  	p0 =	sne.s32 s22, $0x7F0;
	s25 =	smov.u32 s22;
	s22 =	sadd.s32 $0x10, s22  }
.Ltmp0:
0x53: {  	s25 =	sand.u32 $0x70, s25;
	s24 =	sadd.s32 s24, s21;
	(pc) =	sbr.rel @p0 .LBB2_4-.Ltmp0, $4  }
0x54: {  	s24 =	sadd.s32 s25, s24;
	v7 =	vadd.f32 v9, v7;
	v10 =	vmul.f32 v9, v9  }
0x55: {  	v9 =	vld [tilespmem:s24+$0x0]  }
0x56: {  	v8 =	vadd.f32 v10, v8  }
0x57: {  	s23 =	sadd.s32 $0x80, s23  }
0x58: {  	_ =	sdelay $0x1  }
0x59: {  	v7 =	vadd.f32 v9, v7;
	v9 =	vmul.f32 v9, v9;
	_ =	sdelay $0x1  }
0x5a: {  	v8 =	vadd.f32 v9, v8;
	v9 =	vperm.xlane v7, v3;
	_ =	sdelay $0x1  }
0x5b: {  	v7 =	vadd.f32 v9, v7;
	v9 =	vperm.xlane v8, v3;
	_ =	sdelay $0x1  }
0x5c: {  	v10 =	vperm.xlane v7, v4;
	v8 =	vadd.f32 v9, v8;
	_ =	sdelay $0x1  }
0x5d: {  	v7 =	vadd.f32 v10, v7;
	v9 =	vperm.xlane v8, v4;
	_ =	sdelay $0x1  }
0x5e: {  	v10 =	vperm.xlane v7, v5;
	v8 =	vadd.f32 v9, v8;
	_ =	sdelay $0x1  }
0x5f: {  	v7 =	vadd.f32 v10, v7;
	v9 =	vperm.xlane v8, v5;
	_ =	sdelay $0x1  }
0x60: {  	v10 =	vperm.xlane v7, v6;
	v8 =	vadd.f32 v9, v8;
	_ =	sdelay $0x1  }
0x61: {  	v7 =	vadd.f32 v10, v7;
	v9 =	vperm.xlane v8, v6;
	_ =	sdelay $0x1  }
0x62: {  	v7 =	vmul.f32 $4.882812500e-04, v7;
	v8 =	vadd.f32 v9, v8;
	_ =	sdelay $0x1  }
0x63: {  	v8 =	vmul.f32 $4.882812500e-04, v8;
	v9 =	vmul.f32 v7, v7;
	_ =	sdelay $0x1  }
0x64: {  	v8 =	vsub.f32 v8, v9;
	_ =	sdelay $0x1  }
0x65: {  	v8 =	vadd.f32 $9.999999960e-13, v8;
	_ =	sdelay $0x1  }
0x66: {  	v9 =	vshrl.u32 v8, $0x1;
	v8 =	vmul.f32 $5.000000000e-01, v8  }
0x67: {  	v9 =	vsub.s32 $0x5F3759DF, v9  }
0x68: {  	v10 =	vmul.f32 v9, v8;
	_ =	sdelay $0x1  }
0x69: {  	v10 =	vmul.f32 v9, v10;
	_ =	sdelay $0x1  }
0x6a: {  	v10 =	vsub.f32 $1.500000000e+00, v10;
	_ =	sdelay $0x1  }
0x6b: {  	v9 =	vmul.f32 v9, v10;
	_ =	sdelay $0x1  }
0x6c: {  	v10 =	vmul.f32 v9, v8;
	_ =	sdelay $0x1  }
0x6d: {  	v10 =	vmul.f32 v10, v9;
	_ =	sdelay $0x1  }
0x6e: {  	s22 =	simm.s32 $0x0;
	v10 =	vsub.f32 $1.500000000e+00, v10  }
0x6f: {  	s23 =	sand.u32 $0xF000, s22  }
0x70: {  	s23 =	sshrl.u32 s23, $0x2;
	v9 =	vmul.f32 v10, v9  }
0x71: {  	s22 =	sand.u32 $0x70, s22;
	s23 =	sadd.s32 s23, s21  }
0x72: {  	s22 =	sadd.s32 s22, s23;
	v8 =	vmul.f32 v9, v8  }
0x73: {  	v10 =	vld [tilespmem:s22+$0x0]  }
0x74: {  	v8 =	vmul.f32 v8, v9;
	_ =	sdelay $0x1  }
0x75: {  	v8 =	vsub.f32 $1.500000000e+00, v8  }
0x76: {  	s23 =	simm.s32 $0x8200  }
0x77: {  	v11 =	vld [tilespmem:s23+$0x0];
	v8 =	vmul.f32 v8, v9;
	v9 =	vsub.f32 v10, v7  }
0x78: {  	s24 =	simm.s32 $0x8A00  }
0x79: {  	v10 =	vmul.f32 v9, v8;
	v9 =	vld [tilespmem:s24+$0x0];
	_ =	sdelay $0x2  }
0x7a: {  	s26 =	simm.s32 $0x200;
	v10 =	vmul.f32 v10, v11  }
0x7b: {  	s25 =	simm.s32 $0x10;
	s28 =	simm.s32 $0x20;
	s29 =	sand.u32 $0xF000, s26  }
.LBB2_6:
0x7c: {  	p0 =	sne.s32 s28, $0x7F0;
	s29 =	sshrl.u32 s29, $0x2;
	v9 =	vadd.f32 v10, v9  }
0x7d: {  	s30 =	sand.u32 $0x70, s25;
	s25 =	smov.u32 s28;
	s29 =	sadd.s32 s29, s21  }
0x7e: {  	[tilespmem:s22+$0x0] =	vst v9;
	s22 =	sadd.s32 s30, s29  }
0x7f: {  	v9 =	vld [tilespmem:s22+$0x0];
	_ =	sdelay $0x2  }
0x80: {  	s23 =	sadd.s32 $0x10, s23  }
0x81: {  	v10 =	vld [tilespmem:s23+$0x0]  }
0x82: {  	s24 =	sadd.s32 $0x10, s24;
	v11 =	vsub.f32 v9, v7  }
.Ltmp1:
0x83: {  	v9 =	vld [tilespmem:s24+$0x0];
	(pc) =	sbr.rel @p0 .LBB2_6-.Ltmp1, $3  }
0x84: {  	v11 =	vmul.f32 v11, v8;
	_ =	sdelay $0x1  }
0x85: {  	s26 =	sadd.s32 $0x200, s26;
	v10 =	vmul.f32 v11, v10  }
0x86: {  	s28 =	sadd.s32 $0x10, s28;
	s29 =	sand.u32 $0xF000, s26  }
0x87: {  	s26 =	sshrl.u32 s29, $0x2;
	v9 =	vadd.f32 v10, v9  }
0x88: {  	s25 =	sand.u32 $0x70, s25;
	s21 =	sadd.s32 s26, s21  }
0x89: {  	s21 =	sadd.s32 s25, s21;
	[tilespmem:s22+$0x0] =	vst v9  }
0x8a: {  	v9 =	vld [tilespmem:s21+$0x0];
	_ =	sdelay $0x2  }
0x8b: {  	s29 =	sadd.s32 $0x10, s23  }
0x8c: {  	v62 =	vld [tilespmem:s29+$0x0]  }
0x8d: {  	s30 =	sadd.s32 $0x10, s24;
	v7 =	vsub.f32 v9, v7  }
0x8e: {  	v63 =	vld [tilespmem:s30+$0x0]  }
0x8f: {  	s6 =	sadd.s32 $0x1, s6;
	v7 =	vmul.f32 v7, v8  }
0x90: {  	p0 =	sne.s32 s6, $0x10  }
.Ltmp2:
0x91: {  	v7 =	vmul.f32 v7, v62;
	(pc) =	sbr.rel @p0 .LBB2_3-.Ltmp2, $3  }
0x92: {  	_ = 	snop  }
0x93: {  	v7 =	vadd.f32 v7, v63;
	_ =	sdelay $0x1  }
0x94: {  	[tilespmem:s21+$0x0] =	vst v7  }
0x95: {  	s5 =	sadd.s32 s7, s8;
	s16 =	sadd.s32 $0x1, s16  }
0x96: {  	s6 =	rddreg [dreg:$0x4];
	s5 =	sshll.u32 s5, $0x8;
	p0 =	sne.s32 s16, $0x20  }
.Ltmp3:
0x97: {  	s5 =	sadd.s32 s6, s5;
	(pc) =	sbr.rel @p0 .LBB2_2-.Ltmp3, $4  }
0x98: {  	[hbm4b:s5+s31] =	stream.linear.scatter [tilespmem:s20], [sflag:$0x2], $0x8000, $0x38;
	[tilespmem:$0x9200] =	vst v63  }
0x99: {  	_ =	swait.ge [sflag:s17], $0x8000  }
0x9a: {  	[sflag:s17] =	ssyncset.done $0x0  }
0x9b: {  	[sflag:s17] =	ssyncadd.s32 $0xFFFF8000  }
0x9c: {  	s6 =	rddreg [dreg:$0x8]  }
0x9d: {  	s5 =	rddreg [dreg:$0x7];
	s6 =	sadd.s32 $0x1, s6  }
0x9e: {  	p0 =	sne.s32 s6, s5  }
.Ltmp4:
0x9f: {  	_ = 	snop;
	(pc) =	sbr.rel @p0 .LBB2_1-.Ltmp4, $1  }
0xa0: {  	_ =	sdelay $0x3  }
0xa1: {  	_ =	sfence.sel $0x180000  }
0xa2: {  	[bflag:$0x0] =	sbarrier.arrive $0xFFFF  }
0xa3: {  	_ =	strace $0x90000047  }
0xa4: {  	s0 =	stileid.u32;
	[bflag:$0x2] =	sbarrier.arrive $0xFFFF  }
0xa5: {  	p0 =	sne.s32 s0, $0x0;
	s0 =	rddreg [dreg:$0x5]  }
0xa6: {  	s0 =	sadd.s32 @!p0 $0x100000, s0  }
0xa7: {  	[sflag:s0] =	ssyncadd.tile.s32 @!p0 $0x1;
	_ =	shalt  }
.Lfunc_end2:
_tile_overlayer_lowered:
.L_overlay_start_2:
0xa8: {  	(tag) =	ssettag $0x2  }
0xa9: {  	s0 =	rddreg [dreg:$0x0];
	s2 =	stileid.u32  }
0xaa: {  	s1 =	rddreg [dreg:$0x1];
	p0 =	sne.s32 s2, $0x0  }
0xab: {  	s3 =	rddreg [dreg:$0x2];
	[bflag:$0x3] =	sbarrier.arrive $0xFFFF;
	s2 =	simm.s32 @!p0 $0x1C02  }
0xac: {  	[timem:s3], [sflag:s2] =	dma.local @!p0 [hbm:s0], s1  }
0xad: {  	s0 =	simm.s32 @!p0 $0x2  }
0xae: {  	_ =	swait.ge @!p0 [sflag:s0], s1  }
0xaf: {  	s1 =	ssub.s32 @!p0 $0x0, s1;
	[sflag:s0] =	ssyncset.done @!p0 $0x0  }
0xb0: {  	[sflag:s0] =	ssyncadd.s32 @!p0 s1  }
0xb1: {  	[bflag:$0x3] =	sbarrier.arrive $0xFFFF  }
0xb2: {  	_ =	shalt  }

</sc_bundles>
